<compile_context>
chip_gen: v7x
topology: tpu7x:2x2x1
jax: 0.10.2.dev20260603
libtpu: 0.0.44.dev20260713+nightly
codegen_flags: <defaults>
</compile_context>

<pallas_src>
import functools

import numpy as np
import jax
import jax.numpy as jnp
from jax import lax
from jax.experimental import pallas as pl
from jax.experimental.pallas import tpu as pltpu
from jax.experimental.pallas import tpu_sc as plsc

_NC = 2
_NS = 16
_NW = _NC * _NS
_L = 16


def _bb_pos_table(qq, kk):
    strides = int(np.ceil(np.sqrt(float(kk) / float(qq))))
    qh = int(np.sqrt(float(qq)))
    kh = int(np.sqrt(float(kk)))
    x1, y1 = np.meshgrid(np.arange(qh), np.arange(qh))
    aa = np.stack([x1.reshape(-1), y1.reshape(-1)], axis=-1)
    x2, y2 = np.meshgrid(np.arange(kh), np.arange(kh))
    bbc = np.stack([x2.reshape(-1), y2.reshape(-1)], axis=-1)
    cc = np.abs(bbc[None, :, :] - aa[:, None, :] * strides)
    return (cc[:, :, 0] + cc[:, :, 1] * kh).astype(np.int32)


def _sc_gather(bb_flat, idx_pad, num_heads, n_pad):
    wph = _NW // num_heads
    cpw = n_pad // (wph * _L)
    span = cpw * _L

    mesh = plsc.VectorSubcoreMesh(core_axis_name="c", subcore_axis_name="s")

    @functools.partial(
        pl.kernel,
        mesh=mesh,
        out_type=jax.ShapeDtypeStruct((num_heads * n_pad,), jnp.float32),
        scratch_types=[
            pltpu.VMEM((span,), jnp.int32),
            pltpu.VMEM((span,), jnp.float32),
            pltpu.VMEM(bb_flat.shape, jnp.float32),
        ],
        compiler_params=pltpu.CompilerParams(needs_layout_passes=False),
    )
    def gather_kernel(bb_hbm, idx_hbm, out_hbm, idx_v, out_v, bb_v):
        wid = lax.axis_index("s") * _NC + lax.axis_index("c")
        h = wid // wph
        start = (wid % wph) * span
        pltpu.sync_copy(bb_hbm, bb_v)
        pltpu.sync_copy(idx_hbm.at[pl.ds(start, span)], idx_v)
        col = jnp.full((_L,), h, dtype=jnp.int32)

        def body(i, carry):
            off = pl.multiple_of(i * _L, _L)
            rows = idx_v[pl.ds(off, _L)] * num_heads + col
            out_v[pl.ds(off, _L)] = plsc.load_gather(bb_v, [rows])
            return carry

        lax.fori_loop(0, cpw, body, 0)
        out_off = pl.multiple_of(h * n_pad + start, 8)
        pltpu.sync_copy(out_v, out_hbm.at[pl.ds(out_off, span)])

    return gather_kernel(bb_flat, idx_pad)


def _add_body(x_ref, p_ref, o_ref):
    o_ref[...] = x_ref[...] + p_ref[...]


def kernel(inputs, bb):
    B, H, QQ, KK = inputs.shape
    n = QQ * KK

    wph = _NW // H
    cpw = -(-n // (wph * _L))
    n_pad = cpw * _L * wph
    idx_flat = np.zeros((n_pad,), dtype=np.int32)
    idx_flat[:n] = _bb_pos_table(QQ, KK).reshape(-1)

    pos_pad = _sc_gather(bb.reshape(-1), jnp.asarray(idx_flat), H, n_pad)
    pos = pos_pad.reshape(H, n_pad)[:, :n].reshape(H, QQ, KK)

    bblk = 4
    return pl.pallas_call(
        _add_body,
        grid=(B // bblk,),
        in_specs=[
            pl.BlockSpec((bblk, H, QQ, KK), lambda b: (b, 0, 0, 0)),
            pl.BlockSpec((H, QQ, KK), lambda b: (0, 0, 0)),
        ],
        out_specs=pl.BlockSpec((bblk, H, QQ, KK), lambda b: (b, 0, 0, 0)),
        out_shape=jax.ShapeDtypeStruct((B, H, QQ, KK), jnp.float32),
    )(inputs, pos)

# --- scband reference (transcript-rebuilt; emitter-appended) ---
"""Pipeline reference for scband-multi-head-positional-embedding-47253230190980 (READ-ONLY COPY).

The authoritative reference and input builder live on the scoring server;
editing this copy changes nothing except your own understanding.
"""

import jax, jax.numpy as jnp
import numpy as np


def _make_bb_pos(qq_blocks, kk_blocks):
    strides = int(np.ceil(np.sqrt(float(kk_blocks) / float(qq_blocks))))
    q_blocks_h = int(np.sqrt(float(qq_blocks)))
    k_blocks_h = int(np.sqrt(float(kk_blocks)))
    x1, y1 = np.meshgrid(np.arange(q_blocks_h), np.arange(q_blocks_h))
    aa = np.stack([x1.reshape(-1), y1.reshape(-1)], axis=-1)  # (qq, 2)
    x2, y2 = np.meshgrid(np.arange(k_blocks_h), np.arange(k_blocks_h))
    bbc = np.stack([x2.reshape(-1), y2.reshape(-1)], axis=-1)  # (kk, 2)
    cc = np.abs(bbc[None, :, :] - aa[:, None, :] * strides)  # (qq, kk, 2)
    bb_pos = cc[:, :, 0] + cc[:, :, 1] * k_blocks_h  # (qq, kk)
    return jnp.asarray(bb_pos, dtype=jnp.int32)


def setup_inputs(seed: int = 0):
    key = jax.random.key(seed)
    k1, k2 = jax.random.split(key)
    B, H, QQ, KK = 128, 8, 196, 196
    inputs = jax.random.normal(k1, (B, H, QQ, KK), dtype=jnp.float32)
    # learned positional embedding table (kk_blocks, num_heads); zeros init in
    # the original, randomized here so the op is nontrivial
    bb = jax.random.normal(k2, (KK, H), dtype=jnp.float32) * 0.02
    return {"inputs": inputs, "bb": bb}


def reference(inputs, bb):
    QQ, KK = inputs.shape[2], inputs.shape[3]
    bb_pos = _make_bb_pos(QQ, KK)  # int32 (QQ, KK), constant
    pos_bias = jnp.take(bb, bb_pos, axis=0)  # (QQ, KK, H) gather
    pos_bias = jnp.transpose(pos_bias, (2, 0, 1))  # (H, QQ, KK)
    return inputs + pos_bias

if __name__ == "__main__":
    import jax
    _d = setup_inputs()
    print(jax.jit(kernel)(*tuple(_d.values())))

</pallas_src>

<mosaic_0001>
#map = affine_map<(d0, d1) -> (0)>
module attributes {stable_mosaic.version = 14 : i64} {
  func.func @gather_kernel(%arg0: i32, %arg1: i32, %arg2: memref<1568xf32, #tpu.memory_space<hbm>>, %arg3: memref<38464xi32, #tpu.memory_space<hbm>>, %arg4: memref<307712xf32, #tpu.memory_space<hbm>>, %arg5: memref<9616xi32, #tpu.memory_space<vmem>>, %arg6: memref<9616xf32, #tpu.memory_space<vmem>>, %arg7: memref<1568xf32, #tpu.memory_space<vmem>>) attributes {dimension_semantics = [#tpu.dimension_semantics<core_parallel>, #tpu.dimension_semantics<subcore_parallel>], iteration_bounds = array<i64: 2, 16>, scalar_prefetch = 0 : i64, scratch_operands = 3 : i64, tpu.core_type = #tpu.core_type<sc_vector_subcore>, window_params = [{transform_indices = #map}, {transform_indices = #map}, {transform_indices = #map}]} {
    %mul3A = arith.constant 2 : i32
    %mul3A_0 = arith.muli %arg1, %mul3A : i32
    %add3A = arith.addi %mul3A_0, %arg0 : i32
    %jit3A = arith.constant 4 : i32
    %div3A = arith.divsi %add3A, %jit3A : i32
    %sign3A = arith.constant 0 : i32
    %sign3A_1 = arith.cmpi sgt, %add3A, %sign3A : i32
    %sign3A_2 = arith.extui %sign3A_1 : i1 to i32
    %sign3A_3 = arith.constant 0 : i32
    %sign3A_4 = arith.cmpi slt, %add3A, %sign3A_3 : i32
    %sign3A_5 = arith.extui %sign3A_4 : i1 to i32
    %sign3A_6 = arith.subi %sign3A_2, %sign3A_5 : i32
    %sign3A_7 = arith.constant 0 : i32
    %sign3A_8 = arith.cmpi sgt, %jit3A, %sign3A_7 : i32
    %sign3A_9 = arith.extui %sign3A_8 : i1 to i32
    %sign3A_10 = arith.constant 0 : i32
    %sign3A_11 = arith.cmpi slt, %jit3A, %sign3A_10 : i32
    %sign3A_12 = arith.extui %sign3A_11 : i1 to i32
    %sign3A_13 = arith.subi %sign3A_9, %sign3A_12 : i32
    %ne3A = arith.cmpi ne, %sign3A_6, %sign3A_13 : i32
    %rem3A = arith.remsi %add3A, %jit3A : i32
    %ne3A_14 = arith.constant 0 : i32
    %ne3A_15 = arith.cmpi ne, %rem3A, %ne3A_14 : i32
    %and3A = arith.andi %ne3A, %ne3A_15 : i1
    %sub3A = arith.constant 1 : i32
    %sub3A_16 = arith.subi %div3A, %sub3A : i32
    %select_n3A = arith.select %and3A, %sub3A_16, %div3A : i32
    %jit3A_17 = arith.constant 4 : i32
    %eq3A = arith.constant 0 : i32
    %eq3A_18 = arith.cmpi eq, %jit3A_17, %eq3A : i32
    %jit3A_19 = arith.constant 1 : i32
    %select_n3A_20 = arith.select %eq3A_18, %jit3A_19, %jit3A_17 : i32
    %rem3A_21 = arith.remsi %add3A, %select_n3A_20 : i32
    %ne3A_22 = arith.constant 0 : i32
    %ne3A_23 = arith.cmpi ne, %rem3A_21, %ne3A_22 : i32
    %lt3A = arith.constant 0 : i32
    %lt3A_24 = arith.cmpi slt, %rem3A_21, %lt3A : i32
    %lt3A_25 = arith.constant 0 : i32
    %lt3A_26 = arith.cmpi slt, %select_n3A_20, %lt3A_25 : i32
    %ne3A_27 = arith.xori %lt3A_24, %lt3A_26 : i1
    %and3A_28 = arith.andi %ne3A_27, %ne3A_23 : i1
    %add3A_29 = arith.addi %rem3A_21, %select_n3A_20 : i32
    %select_n3A_30 = arith.select %and3A_28, %add3A_29, %rem3A_21 : i32
    %mul3A_31 = arith.constant 9616 : i32
    %mul3A_32 = arith.muli %select_n3A_30, %mul3A_31 : i32
    "tpu.region"() ({
      %run_scoped3A = tpu.sem_alloc : memref<!tpu.dma_semaphore, #tpu.memory_space<semaphore_mem>>
      tpu.enqueue_dma source(%arg2 : memref<1568xf32, #tpu.memory_space<hbm>>) target(%arg7 : memref<1568xf32, #tpu.memory_space<vmem>>) target_semaphore(%run_scoped3A : memref<!tpu.dma_semaphore, #tpu.memory_space<semaphore_mem>>)
      tpu.wait_dma2 semaphore(%run_scoped3A : memref<!tpu.dma_semaphore, #tpu.memory_space<semaphore_mem>>) src(%arg2 : memref<1568xf32, #tpu.memory_space<hbm>>) dst(%arg7 : memref<1568xf32, #tpu.memory_space<vmem>>)
      tpu.yield
    }) : () -> ()
    "tpu.region"() ({
      %run_scoped3A = tpu.sem_alloc : memref<!tpu.dma_semaphore, #tpu.memory_space<semaphore_mem>>
      %dma_start3A = tpu.memref_slice %arg3[%mul3A_32] : memref<38464xi32, #tpu.memory_space<hbm>> -> memref<9616xi32, #tpu.memory_space<hbm>>
      %dma_start3A_41 = tpu.memref_slice %arg3[%mul3A_32] : memref<38464xi32, #tpu.memory_space<hbm>> -> memref<9616xi32, #tpu.memory_space<hbm>>
      tpu.enqueue_dma source(%dma_start3A_41 : memref<9616xi32, #tpu.memory_space<hbm>>) target(%arg5 : memref<9616xi32, #tpu.memory_space<vmem>>) target_semaphore(%run_scoped3A : memref<!tpu.dma_semaphore, #tpu.memory_space<semaphore_mem>>)
      %dma_wait3A = tpu.memref_slice %arg3[%mul3A_32] : memref<38464xi32, #tpu.memory_space<hbm>> -> memref<9616xi32, #tpu.memory_space<hbm>>
      %dma_wait3A_42 = tpu.memref_slice %arg3[%mul3A_32] : memref<38464xi32, #tpu.memory_space<hbm>> -> memref<9616xi32, #tpu.memory_space<hbm>>
      tpu.wait_dma2 semaphore(%run_scoped3A : memref<!tpu.dma_semaphore, #tpu.memory_space<semaphore_mem>>) src(%dma_wait3A_42 : memref<9616xi32, #tpu.memory_space<hbm>>) dst(%arg5 : memref<9616xi32, #tpu.memory_space<vmem>>)
      tpu.yield
    }) : () -> ()
    %broadcast_in_dim3A = vector.broadcast %select_n3A : i32 to vector<16xi32>
    %scan3A = arith.constant 0 : i32
    %scan3A_33 = arith.constant 0 : i32
    %scan3A_34 = arith.constant 601 : i32
    %scan3A_35 = arith.addi %scan3A_33, %scan3A_34 : i32
    %scan3A_36 = arith.constant 1 : i32
    scf.for %scan3A_41 = %scan3A_33 to %scan3A_35 step %scan3A_36  : i32 {
      %mul3A_42 = arith.constant 16 : i32
      %mul3A_43 = arith.muli %scan3A_41, %mul3A_42 : i32
      %multiple_of3A_44 = tpu.assume_multiple %mul3A_43, 16 : i32
      %get3A = arith.index_cast %multiple_of3A_44 : i32 to index
      %get3A_45 = tpu.vector_load %arg5[%get3A] {strides = array<i32>} : memref<9616xi32, #tpu.memory_space<vmem>>, vector<16xi32>,
      %mul3A_46 = arith.constant 8 : i32
      %mul3A_47 = vector.broadcast %mul3A_46 : i32 to vector<16xi32>
      %mul3A_48 = arith.muli %get3A_45, %mul3A_47 : vector<16xi32>
      %add3A_49 = arith.addi %mul3A_48, %broadcast_in_dim3A : vector<16xi32>
      %gather3A = tpu.vector_load_idx %arg7[%add3A_49] : memref<1568xf32, #tpu.memory_space<vmem>>[vector<16xi32>], vector<16xf32>,
      %swap3A = arith.index_cast %multiple_of3A_44 : i32 to index
      %swap3A_50 = tpu.vector_load %arg6[%swap3A] {strides = array<i32>} : memref<9616xf32, #tpu.memory_space<vmem>>, vector<16xf32>,
      tpu.vector_store %arg6[%swap3A], %gather3A {strides = array<i32>} : memref<9616xf32, #tpu.memory_space<vmem>>, vector<16xf32>,
    }
    %scan3A_37 = arith.constant 601 : i32
    %mul3A_38 = arith.constant 38464 : i32
    %mul3A_39 = arith.muli %select_n3A, %mul3A_38 : i32
    %add3A_40 = arith.addi %mul3A_39, %mul3A_32 : i32
    %multiple_of3A = tpu.assume_multiple %add3A_40, 8 : i32
    "tpu.region"() ({
      %run_scoped3A = tpu.sem_alloc : memref<!tpu.dma_semaphore, #tpu.memory_space<semaphore_mem>>
      %dma_start3A = tpu.memref_slice %arg4[%multiple_of3A] : memref<307712xf32, #tpu.memory_space<hbm>> -> memref<9616xf32, #tpu.memory_space<hbm>>
      %dma_start3A_41 = tpu.memref_slice %arg4[%multiple_of3A] : memref<307712xf32, #tpu.memory_space<hbm>> -> memref<9616xf32, #tpu.memory_space<hbm>>
      tpu.enqueue_dma source(%arg6 : memref<9616xf32, #tpu.memory_space<vmem>>) target(%dma_start3A_41 : memref<9616xf32, #tpu.memory_space<hbm>>) target_semaphore(%run_scoped3A : memref<!tpu.dma_semaphore, #tpu.memory_space<semaphore_mem>>)
      %dma_wait3A = tpu.memref_slice %arg4[%multiple_of3A] : memref<307712xf32, #tpu.memory_space<hbm>> -> memref<9616xf32, #tpu.memory_space<hbm>>
      %dma_wait3A_42 = tpu.memref_slice %arg4[%multiple_of3A] : memref<307712xf32, #tpu.memory_space<hbm>> -> memref<9616xf32, #tpu.memory_space<hbm>>
      tpu.wait_dma2 semaphore(%run_scoped3A : memref<!tpu.dma_semaphore, #tpu.memory_space<semaphore_mem>>) src(%arg6 : memref<9616xf32, #tpu.memory_space<vmem>>) dst(%dma_wait3A_42 : memref<9616xf32, #tpu.memory_space<hbm>>)
      tpu.yield
    }) : () -> ()
    return
  }
}

module attributes {stable_mosaic.version = 14 : i64} {
  func.func @_add_body(%arg0: i32, %arg1: memref<4x8x196x196xf32, #tpu.memory_space<vmem>>, %arg2: memref<8x196x196xf32, #tpu.memory_space<vmem>>, %arg3: memref<4x8x196x196xf32, #tpu.memory_space<vmem>>) attributes {dimension_semantics = [#tpu.dimension_semantics<arbitrary>], iteration_bounds = array<i64: 32>, scalar_prefetch = 0 : i64, scratch_operands = 0 : i64, tpu.core_type = #tpu.core_type<tc>, window_params = [{transform_indices = @transform_0, window_bounds = array<i64: 4, 8, 196, 196>}, {pipeline_mode = #tpu.pipeline_mode<synchronous>, transform_indices = @transform_1, window_bounds = array<i64: 8, 196, 196>}, {transform_indices = @transform_2, window_bounds = array<i64: 4, 8, 196, 196>}]} {
    %get3A = arith.constant 0 : index
    %get3A_0 = arith.constant 0 : index
    %get3A_1 = arith.constant 0 : index
    %get3A_2 = arith.constant 0 : index
    %get3A_3 = vector.load %arg1[%get3A, %get3A_0, %get3A_1, %get3A_2] : memref<4x8x196x196xf32, #tpu.memory_space<vmem>>, vector<4x8x196x196xf32>
    %get3A_4 = arith.constant 0 : index
    %get3A_5 = arith.constant 0 : index
    %get3A_6 = arith.constant 0 : index
    %get3A_7 = vector.load %arg2[%get3A_4, %get3A_5, %get3A_6] : memref<8x196x196xf32, #tpu.memory_space<vmem>>, vector<8x196x196xf32>
    %broadcast_in_dim3A = vector.shape_cast %get3A_7 : vector<8x196x196xf32> to vector<1x8x196x196xf32>
    %add3A = vector.broadcast %broadcast_in_dim3A : vector<1x8x196x196xf32> to vector<4x8x196x196xf32>
    %add3A_8 = arith.addf %get3A_3, %add3A : vector<4x8x196x196xf32>
    %swap3A = arith.constant 0 : index
    %swap3A_9 = arith.constant 0 : index
    %swap3A_10 = arith.constant 0 : index
    %swap3A_11 = arith.constant 0 : index
    %swap3A_12 = vector.load %arg3[%swap3A, %swap3A_9, %swap3A_10, %swap3A_11] : memref<4x8x196x196xf32, #tpu.memory_space<vmem>>, vector<4x8x196x196xf32>
    tpu.vector_store %arg3[%swap3A, %swap3A_9, %swap3A_10, %swap3A_11], %add3A_8 {strides = array<i32>} : memref<4x8x196x196xf32, #tpu.memory_space<vmem>>, vector<4x8x196x196xf32>,
    return
  }
  func.func @transform_0(%arg0: i32) -> (i32, i32, i32, i32) {
    %c0_i32 = arith.constant 0 : i32
    %c0_i32_0 = arith.constant 0 : i32
    %c0_i32_1 = arith.constant 0 : i32
    %c0_i32_2 = arith.constant 0 : i32
    return %arg0, %c0_i32, %c0_i32_0, %c0_i32_1 : i32, i32, i32, i32
  }
  func.func @transform_1(%arg0: i32) -> (i32, i32, i32) {
    %c0_i32 = arith.constant 0 : i32
    %c0_i32_0 = arith.constant 0 : i32
    %c0_i32_1 = arith.constant 0 : i32
    %c0_i32_2 = arith.constant 0 : i32
    return %c0_i32, %c0_i32_0, %c0_i32_1 : i32, i32, i32
  }
  func.func @transform_2(%arg0: i32) -> (i32, i32, i32, i32) {
    %c0_i32 = arith.constant 0 : i32
    %c0_i32_0 = arith.constant 0 : i32
    %c0_i32_1 = arith.constant 0 : i32
    %c0_i32_2 = arith.constant 0 : i32
    return %arg0, %c0_i32, %c0_i32_0, %c0_i32_1 : i32, i32, i32, i32
  }
}

</mosaic_0001>

<sc_bundles>
// kernel: kernel.4.cloned.1.call-start
scs
__scs_entry_jumppad:
0x0: {  	(pc) =	sbr.rel $0x88, $3  }
0x1: {  	(tag) =	ssettag $0x0;
	lr =	simm.s32 $0x1  }
0x2: {  	[smem:$0x3F9F] =	sst lr;
	_ =	strace $0xD0000000  }
0x3: {  	_ = 	snop  }
0x4: {  	_ = 	snop  }
0x5: {  	_ = 	snop  }
0x6: {  	_ = 	snop  }
0x7: {  	_ = 	snop  }
__scs_overlays_trampoline_lowered:
0x8: {  	[smem:$0x3FAE] =	sst s0  }
0x9: {  	[smem:$0x3FAF] =	sst s1  }
0xa: {  	[smem:$0x3FB0] =	sst s2  }
0xb: {  	[smem:$0x3FB1] =	sst s3  }
0xc: {  	[smem:$0x3FB2] =	sst s4  }
0xd: {  	[smem:$0x3FB3] =	sst s5  }
0xe: {  	[smem:$0x3FB4] =	sst s6  }
0xf: {  	[smem:$0x3FB5] =	sst s7  }
0x10: {  	[smem:$0x3FB6] =	sst s8  }
0x11: {  	[smem:$0x3FB7] =	sst s9;
	s0 =	simm.s32 @!p0 $0x0  }
0x12: {  	s1 =	sld [smem:$0x3F9D];
	s0 =	simm.s32 @p0 $0x1  }
0x13: {  	[smem:$0x3FB8] =	sst s0;
	s0 =	simm.s32 @!p1 $0x0  }
0x14: {  	s2 =	sld [smem:$0x3F9C];
	s0 =	simm.s32 @p1 $0x1  }
0x15: {  	[smem:$0x3FB9] =	sst s0;
	s0 =	simm.s32 @!p2 $0x0  }
0x16: {  	s3 =	sld [smem:$0x3FDB];
	s0 =	simm.s32 @p2 $0x1  }
0x17: {  	s4 =	simm.s32 $0x1BF5;
	[smem:$0x3FBB] =	sst s0  }
0x18: {  	s0 =	sld [smem:$0x3F9E];
	_ =	swait.ge [sflag:s4], $0x0  }
0x19: {  	s7 =	sld [smem:$0x3F9F]  }
0x1a: {  	s8 =	sadd.s32 $0xFFFFE003, lr  }
0x1b: {  	s9 =	sadd.s32 $0xFFFFFEF7, lr;
	s5 =	simm.s32 $0xFFFFFFFF;
	p2 =	slt.u32 s8, $0xFFFFF086  }
0x1c: {  	p1 =	slt.u32 s9, $0xF7A;
	s5 =	simm.s32 @!p2 $0x0  }
0x1d: {  	s5 =	simm.s32 @p1 $0x1;
	p0 =	seq.s32 s7, s2  }
0x1e: {  	s7 =	smul.u32 @!p0 $0xF7A, s2;
	p2 =	seq.s32 @!p0 s5, $0x0  }
0x1f: {  	s9 =	smul.u32 $0xF7A, s1;
	s8 =	simm.s32 @!p0 $0x1BF5;
	p2 =	por !p2, p0  }
0x20: {  	[sflag:s8] =	ssyncset.s32 @!p0 $0xFFFFF086;
	s6 =	sadd.s32 @!p0 s3, s7;
	s7 =	simm.s32 @!p0 $0x108  }
0x21: {  	s3 =	sadd.s32 s3, s9;
	s6 =	sadd.s32 @!p0 $0x88, s6;
	s7 =	simm.s32 @p2 $0x1082  }
0x22: {  	[simem:s7], [sflag:s8] =	dma.local @!p0 [hbm:s6], $0xF7A  }
0x23: {  	s9 =	sor.u32 $0xD0000000, s2;
	s6 =	simm.s32 $0x108;
	_ =	swait.ge @!p0 [sflag:s8], $0x0  }
0x24: {  	s3 =	sadd.s32 $0x88, s3;
	s6 =	simm.s32 @!p1 $0x1082;
	[sflag:s4] =	ssyncset.s32 $0xFFFFF086  }
0x25: {  	[simem:s6], [sflag:s4] =	dma.local [hbm:s3], $0xF7A  }
0x26: {  	[smem:$0x3F9F] =	sst s1;
	(tag) =	ssettag s2;
	_ =	strace s9  }
0x27: {  	s1 =	sld [smem:$0x3FAF]  }
0x28: {  	s2 =	sld [smem:$0x3FB0]  }
0x29: {  	s4 =	sld [smem:$0x3FB2]  }
0x2a: {  	p0 =	seq.s32 s5, $0x0;
	s5 =	sld [smem:$0x3FB3]  }
0x2b: {  	s6 =	sld [smem:$0x3FB4]  }
0x2c: {  	s7 =	sld [smem:$0x3FB5]  }
0x2d: {  	s3 =	simm.s32 $0x108;
	s8 =	sld [smem:$0x3FB6]  }
0x2e: {  	s3 =	simm.s32 @!p0 $0x1082;
	s9 =	sld [smem:$0x3FB7]  }
0x2f: {  	lr =	sadd.s32 s0, s3;
	s0 =	sld [smem:$0x3FAE]  }
0x30: {  	s3 =	sld [smem:$0x3FB1]  }
0x31: {  	[smem:$0x3FBA] =	sst s10  }
0x32: {  	s10 =	sld [smem:$0x3FB8];
	_ =	sdelay $0x3  }
0x33: {  	p0 =	seq.s32 s10, $0x1;
	s10 =	sld [smem:$0x3FBA];
	_ =	sdelay $0x3  }
0x34: {  	[smem:$0x3FBA] =	sst s10  }
0x35: {  	s10 =	sld [smem:$0x3FB9];
	_ =	sdelay $0x3  }
0x36: {  	p1 =	seq.s32 s10, $0x1;
	s10 =	sld [smem:$0x3FBA];
	_ =	sdelay $0x3  }
0x37: {  	[smem:$0x3FBA] =	sst s10  }
0x38: {  	s10 =	sld [smem:$0x3FBB]  }
0x39: {  	_ = 	snop;
	(pc) =	sbr.ind lr, $3  }
0x3a: {  	_ = 	snop  }
0x3b: {  	_ = 	snop  }
0x3c: {  	p2 =	seq.s32 s10, $0x1;
	s10 =	sld [smem:$0x3FBA]  }
0x3d: {  	_ =	shalt  }
0x3e: {  	_ =	shalt  }
0x3f: {  	_ =	shalt  }
0x40: {  	_ =	shalt  }
0x41: {  	_ =	shalt  }
0x42: {  	_ =	shalt  }
0x43: {  	_ =	shalt  }
0x44: {  	_ =	shalt  }
0x45: {  	_ =	shalt  }
0x46: {  	_ =	shalt  }
0x47: {  	_ =	shalt  }
0x48: {  	_ =	shalt  }
0x49: {  	_ =	shalt  }
0x4a: {  	_ =	shalt  }
0x4b: {  	_ =	shalt  }
0x4c: {  	_ =	shalt  }
0x4d: {  	_ =	shalt  }
0x4e: {  	_ =	shalt  }
0x4f: {  	_ =	shalt  }
0x50: {  	_ =	shalt  }
0x51: {  	_ =	shalt  }
0x52: {  	_ =	shalt  }
0x53: {  	_ =	shalt  }
0x54: {  	_ =	shalt  }
0x55: {  	_ =	shalt  }
0x56: {  	_ =	shalt  }
0x57: {  	_ =	shalt  }
0x58: {  	_ =	shalt  }
0x59: {  	_ =	shalt  }
0x5a: {  	_ =	shalt  }
0x5b: {  	_ =	shalt  }
0x5c: {  	_ =	shalt  }
0x5d: {  	_ =	shalt  }
0x5e: {  	_ =	shalt  }
0x5f: {  	_ =	shalt  }
0x60: {  	_ =	shalt  }
0x61: {  	_ =	shalt  }
0x62: {  	_ =	shalt  }
0x63: {  	_ =	shalt  }
0x64: {  	_ =	shalt  }
0x65: {  	_ =	shalt  }
0x66: {  	_ =	shalt  }
0x67: {  	_ =	shalt  }
0x68: {  	_ =	shalt  }
0x69: {  	_ =	shalt  }
0x6a: {  	_ =	shalt  }
0x6b: {  	_ =	shalt  }
0x6c: {  	_ =	shalt  }
0x6d: {  	_ =	shalt  }
0x6e: {  	_ =	shalt  }
0x6f: {  	_ =	shalt  }
0x70: {  	_ =	shalt  }
0x71: {  	_ =	shalt  }
0x72: {  	_ =	shalt  }
0x73: {  	_ =	shalt  }
0x74: {  	_ =	shalt  }
0x75: {  	_ =	shalt  }
0x76: {  	_ =	shalt  }
0x77: {  	_ =	shalt  }
0x78: {  	_ =	shalt  }
0x79: {  	_ =	shalt  }
0x7a: {  	_ =	shalt  }
0x7b: {  	_ =	shalt  }
0x7c: {  	_ =	shalt  }
0x7d: {  	_ =	shalt  }
0x7e: {  	_ =	shalt  }
0x7f: {  	_ =	shalt  }
0x80: {  	_ =	shalt  }
0x81: {  	_ =	shalt  }
0x82: {  	_ =	shalt  }
0x83: {  	_ =	shalt  }
0x84: {  	_ =	shalt  }
0x85: {  	_ =	shalt  }
0x86: {  	_ =	shalt  }
0x87: {  	_ =	shalt  }
.Lfunc_end0:
.L_simem_size_0:
called_computation_lowered:
.L_overlay_start_0:
0x88: {  	s2 =	sld [smem:$0x3FD9]  }
0x89: {  	s3 =	sld [smem:$0x3FFE];
	_ =	sdelay $0x1  }
0x8a: {  	s1 =	srdreg.scid  }
0x8b: {  	s0 =	sand.u32 $0x1, s1  }
0x8c: {  	s17 =	sshll.u32 s0, $0xA;
	s2 =	sadd.s32 s3, s2  }
0x8d: {  	s2 =	sadd.s32 s2, s17  }
0x8e: {  	[smem:$0x3FC6] =	sst s2  }
0x8f: {  	_ = 	snop  }
0x90: {  	s2 =	sld [smem:$0x3FD0];
	(tm) =	ssettm $0x1  }
0x91: {  	s18 =	sld [smem:$0x3FFB];
	_ =	sdelay $0x3  }
0x92: {  	_ =	strace s18  }
0x93: {  	s3 =	sld [smem:$0x3FFC];
	_ =	sdelay $0x3  }
0x94: {  	_ =	strace s3  }
0x95: {  	s3 =	sld [smem:$0x3FFD];
	_ =	sdelay $0x3  }
0x96: {  	_ =	strace s3  }
0x97: {  	_ =	strace $0x8FFFFFFF  }
0x98: {  	s19 =	sld [smem:$0x3FDB];
	_ =	sdelay $0x1  }
0x99: {  	s4 =	simm.s32 $_scs_section_size  }
0x9a: {  	s5 =	simm.s32 $_size__tile_overlayer_lowered;
	s6 =	simm.s32 $_tile_overlayer_lowered  }
0x9b: {  	s22 =	simm.s32 $0x1BFF;
	s21 =	sshll.u32 s6, $0x1;
	s3 =	sadd.s32 s4, s19  }
0x9c: {  	s7 =	simm.s32 $0x0;
	s20 =	sshll.u32 s5, $0x1;
	s5 =	sadd.s32 s21, s3  }
0x9d: {  	[timem:s7], [sflag:s22] =	dma.local [hbm:s5], s20  }
0x9e: {  	_ =	swait.ge [sflag:s22], s20  }
0x9f: {  	s4 =	ssub.s32 $0x0, s20;
	[sflag:s22] =	ssyncset.done $0x0  }
0xa0: {  	[sflag:s22] =	ssyncadd.s32 s4;
	_ =	sdelay $0x1  }
0xa1: {  	s23 =	simm.s32 $0x1B8B  }
0xa2: {  	_ =	swait.ge [sflag:s23], $0x1  }
0xa3: {  	[sflag:s23] =	ssyncset.done $0x0  }
0xa4: {  	s25 =	simm.s32 $0x1B8E;
	s24 =	sld [smem:$0x3FFE];
	[sflag:s23] =	ssyncadd.s32 $0xFFFFFFFF  }
0xa5: {  	s26 =	simm.s32 $execute0_lowered;
	[smem:$0x3FD2] =	sst s25  }
0xa6: {  	s5 =	sshll.u32 s26, $0x1;
	_ =	strace $0x80000046;
	[dreg:$0x1] =	wrdreg $0xFFFFFFFF  }
0xa7: {  	s28 =	simm.s32 $_size_execute0_lowered;
	s3 =	sadd.s32 s3, s5;
	[dreg:$0x0] =	wrdreg $0x0  }
0xa8: {  	s5 =	sshll.u32 s28, $0x1;
	[dreg:$0x2] =	wrdreg s3  }
0xa9: {  	[dreg:$0x3] =	wrdreg s5  }
0xaa: {  	[dreg:$0x4] =	wrdreg $0xC0  }
0xab: {  	_ =	task [dreg:s7], $0x5FFFF  }
0xac: {  	[dreg:$0x1] =	wrdreg $0xFFFFFFFF  }
0xad: {  	[dreg:$0x0] =	wrdreg $0x60  }
0xae: {  	[dreg:$0x2] =	wrdreg s24  }
0xaf: {  	[dreg:$0x3] =	wrdreg s2  }
0xb0: {  	[dreg:$0x4] =	wrdreg $0x9  }
0xb1: {  	_ =	task.clear_ibuf [dreg:s7], $0x5FFFF;
	_ =	strace $0x90000046  }
0xb2: {  	s29 =	simm.s32 $0x9;
	_ =	strace $0x80000048  }
0xb3: {  	_ =	swait.ge [sflag:s29], $0x1  }
0xb4: {  	[sflag:s29] =	ssyncadd.s32 $0xFFFFFFFF  }
0xb5: {  	_ =	strace $0x90000048  }
0xb6: {  	_ =	sfence  }
0xb7: {  	s30 =	sld [smem:$0x0];
	_ =	sdelay $0x2  }
0xb8: {  	s31 =	sshll.u32 s1, $0xD;
	s1 =	sshrl.u32 s1, $0x2  }
0xb9: {  	s3 =	sand.u32 $0x4000, s31;
	s1 =	sadd.s32 s1, s30  }
0xba: {  	s0 =	sor.u32 s3, s0;
	s1 =	sshll.u32 s1, $0x11  }
0xbb: {  	s0 =	sor.u32 s1, s0  }
0xbc: {  	s0 =	sadd.s32 $0x8F2B, s0  }
0xbd: {  	[sflag:s0] =	ssyncadd.remote.s32 $0x1  }
0xbe: {  	_ =	sfence.sel $0xFFFF  }
0xbf: {  	[dreg:$0x0] =	wrdreg $0xFFFFFFFF;
	(pc) =	sbr.abs _section_cstart, $3  }
0xc0: {  	[dreg:$0x1] =	wrdreg $0xFFFFFFFF  }
0xc1: {  	_ =	task.clear_ibuf [dreg:s7], $0x2FFFF;
	_ =	strace $0x9FFFFFFF  }
0xc2: {  	(tm) =	ssettm $0x7FFFFFFF  }
0xc3: {  	_ =	shalt  }
tec
execute0_lowered:
.L_overlay_start_1:
0x0: {  	(tag) =	ssettag $0x1  }
0x1: {  	s0 =	stileid.u32  }
0x2: {  	s4 =	rddreg [dreg:$0x0];
	s1 =	srdreg.scid  }
0x3: {  	s5 =	rddreg [dreg:$0x1];
	s2 =	sshll.u32 s0, $0x1;
	s6 =	sand.u32 $0x1, s1  }
0x4: {  	s1 =	rddreg [dreg:$0x2];
	s8 =	sshrl.u32 s0, $0x1;
	s3 =	sand.u32 $0x2, s2  }
0x5: {  	s2 =	simm.s32 $0x0;
	s9 =	smul.u32 $0x9640, s8;
	s3 =	sor.u32 s6, s3  }
0x6: {  	[smem:$0x7FF] =	sst s2;
	s6 =	ssub.s32 $0x2, s6;
	s7 =	smul.u32 $0x2590, s3  }
0x7: {  	v0 =	vmov s8;
	s8 =	simm.s32 $0x1;
	_ =	strace $0x80000047;
	s31 =	sshrl.u32 s6, $0x1  }
0x8: {  	s3 =	sadd.s32 $0x400, s4;
	s6 =	ssub.s32 s6, s31;
	s10 =	sshrl.u32 s7, $0x3  }
0x9: {  	s7 =	sadd.s32 s9, s7;
	s6 =	smax.u32 s6, $0x1;
	s9 =	simm.s32 $0x2600  }
0xa: {  	s4 =	sadd.s32 s10, s4;
	s7 =	sshrl.u32 s7, $0x3;
	s10 =	simm.s32 $0x0  }
0xb: {  	s4 =	sadd.s32 $0x600, s4;
	s5 =	sadd.s32 s5, s7;
	s7 =	simm.s32 $0x4C00  }
.LBB2_1:
0xc: {  	[tilespmem:s7], [sflag:$0x1] =	stream.linear.gather [hbm4b:s3+s2], $0x680, $0x38;
	[tilespmem:$0x5280] =	vst v63  }
0xd: {  	_ =	swait.ge [sflag:s8], $0x680  }
0xe: {  	[sflag:s8] =	ssyncset.done $0x0  }
0xf: {  	[sflag:s8] =	ssyncadd.s32 $0xFFFFF980  }
0x10: {  	[tilespmem:s2], [sflag:$0x1] =	stream.linear.gather [hbm4b:s4+s2], $0x2590, $0x38;
	[tilespmem:$0x5280] =	vst v63  }
0x11: {  	_ =	swait.ge [sflag:s8], $0x2590  }
0x12: {  	[sflag:s8] =	ssyncset.done $0x0  }
0x13: {  	s12 =	simm.s32 $0x0;
	[sflag:s8] =	ssyncadd.s32 $0xFFFFDA70  }
0x14: {  	v1 =	vld [tilespmem:s12+$0x0];
	_ =	sdelay $0x4  }
0x15: {  	s11 =	simm.s32 $0x10;
	v1 =	vshll.u32 v1, $0x3  }
0x16: {  	v2 =	vld [tilespmem:s11+$0x0];
	v1 =	vor.u32 v0, v1;
	_ =	sdelay $0x4  }
0x17: {  	v2 =	vshll.u32 v2, $0x3;
	v1 =	vld.idx.msk [tilespmem:v1+s7+$0x0], $0xffff  }
0x18: {  	s13 =	simm.s32 $0x20;
	s14 =	simm.s32 $0xC0;
	v2 =	vor.u32 v0, v2  }
.LBB2_2:
0x19: {  	p0 =	sne.s32 s14, $0x9600;
	v3 =	vld [tilespmem:s13+$0x0];
	_ =	sdelay $0x1  }
.Ltmp0:
0x1a: {  	(pc) =	sbr.rel @p0 .LBB2_2-.Ltmp0, $4  }
0x1b: {  	[tilespmem:s12+$0x2600] =	vst v1;
	s12 =	smov.u32 s11;
	s11 =	smov.u32 s13  }
0x1c: {  	v1 =	vld.idx.msk [tilespmem:v2+s7+$0x0], $0xffff  }
0x1d: {  	v2 =	vshll.u32 v3, $0x3  }
0x1e: {  	s13 =	sshra.s32 s14, $0x2;
	s14 =	sadd.s32 $0x40, s14;
	v2 =	vor.u32 v0, v2  }
0x1f: {  	v3 =	vld [tilespmem:s13+$0x0];
	_ =	sdelay $0x3  }
0x20: {  	[tilespmem:s12+$0x2600] =	vst v1  }
0x21: {  	v1 =	vld.idx.msk [tilespmem:v2+s7+$0x0], $0xffff;
	v2 =	vshll.u32 v3, $0x3  }
0x22: {  	v2 =	vor.u32 v0, v2;
	_ =	sdelay $0x3  }
0x23: {  	[tilespmem:s11+$0x2600] =	vst v1  }
0x24: {  	v1 =	vld.idx.msk [tilespmem:v2+s7+$0x0], $0xffff;
	_ =	sdelay $0x2  }
0x25: {  	s10 =	sadd.s32 $0x1, s10  }
0x26: {  	p0 =	sne.s32 s10, s6  }
.Ltmp1:
0x27: {  	[tilespmem:s13+$0x2600] =	vst v1;
	(pc) =	sbr.rel @p0 .LBB2_1-.Ltmp1, $4  }
0x28: {  	[hbm4b:s5+s2] =	stream.linear.scatter [tilespmem:s9], [sflag:$0x1], $0x2590, $0x38;
	[tilespmem:$0x5280] =	vst v63  }
0x29: {  	_ =	swait.ge [sflag:s8], $0x2590  }
0x2a: {  	[sflag:s8] =	ssyncset.done $0x0  }
0x2b: {  	[sflag:s8] =	ssyncadd.s32 $0xFFFFDA70  }
0x2c: {  	_ =	sfence.sel $0x180000  }
0x2d: {  	[bflag:$0x0] =	sbarrier.arrive $0xFFFF  }
0x2e: {  	p0 =	sne.s32 s0, $0x0;
	_ =	strace $0x90000047  }
0x2f: {  	s0 =	sadd.s32 @!p0 $0x100000, s1;
	[bflag:$0x2] =	sbarrier.arrive $0xFFFF  }
0x30: {  	[sflag:s0] =	ssyncadd.tile.s32 @!p0 $0x1;
	_ =	shalt  }
.Lfunc_end2:
_tile_overlayer_lowered:
.L_overlay_start_2:
0x31: {  	(tag) =	ssettag $0x2  }
0x32: {  	s0 =	rddreg [dreg:$0x0];
	s2 =	stileid.u32  }
0x33: {  	s1 =	rddreg [dreg:$0x1];
	p0 =	sne.s32 s2, $0x0  }
0x34: {  	s3 =	rddreg [dreg:$0x2];
	[bflag:$0x3] =	sbarrier.arrive $0xFFFF;
	s2 =	simm.s32 @!p0 $0x1C01  }
0x35: {  	[timem:s3], [sflag:s2] =	dma.local @!p0 [hbm:s0], s1  }
0x36: {  	s0 =	simm.s32 @!p0 $0x1  }
0x37: {  	_ =	swait.ge @!p0 [sflag:s0], s1  }
0x38: {  	s1 =	ssub.s32 @!p0 $0x0, s1;
	[sflag:s0] =	ssyncset.done @!p0 $0x0  }
0x39: {  	[sflag:s0] =	ssyncadd.s32 @!p0 s1  }
0x3a: {  	[bflag:$0x3] =	sbarrier.arrive $0xFFFF  }
0x3b: {  	_ =	shalt  }

</sc_bundles>
